<compile_context>
chip_gen: v7x
topology: tpu7x:2x2x1
jax: 0.10.2.dev20260603
libtpu: 0.0.44.dev20260713+nightly
codegen_flags: <defaults>
</compile_context>

<pallas_src>
import functools

import jax
import jax.numpy as jnp
from jax import lax
from jax.experimental import pallas as pl

B = 32
C = 50000
F = 32
L = 10
K = 32
R = (C * F) // 128
G = 128 // F


def _phase_a_body(cases_ref, q4_ref, faw4_ref, caw4_ref, cabT_ref,
                  fa_ref, v_ref):
    ib = pl.program_id(0)
    cflat = cases_ref[...]
    q4 = q4_ref[...]
    row = lax.broadcasted_iota(jnp.int32, (B, 128), 0)
    q = jnp.sum(jnp.where(row == ib, q4, jnp.float32(0)), axis=0,
                keepdims=True)
    w = jnp.maximum(faw4_ref[...], jnp.float32(0))
    d = jnp.abs(q - cflat)
    fa = jnp.exp(jnp.negative(d) * w)
    fa_ref[0] = fa

    giota = lax.broadcasted_iota(jnp.int32, (G, 128), 0)
    liota = lax.broadcasted_iota(jnp.int32, (G, 128), 1)
    wca = jnp.maximum(caw4_ref[...], jnp.float32(0))
    m4 = jnp.where((liota // F) == giota, wca,
                   jnp.float32(0)).astype(jnp.bfloat16)
    fahi = fa.astype(jnp.bfloat16)
    falo = (fa - fahi.astype(jnp.float32)).astype(jnp.bfloat16)
    nt = (((1,), (1,)), ((), ()))
    ca = (lax.dot_general(m4, fahi, nt, preferred_element_type=jnp.float32)
          + lax.dot_general(m4, falo, nt, preferred_element_type=jnp.float32))
    ca = ca + cabT_ref[...]
    one = jnp.float32(1)
    v_ref[0] = one / (jnp.exp(jnp.negative(ca)) + one)


def _phase_b_body(v_ref, labels_ref, clsT_ref, clsb_ref,
                  mv_ref, out_ref, pred_ref):
    v = v_ref[...]
    u = lax.bitcast_convert_type(v, jnp.int32)
    col = lax.broadcasted_iota(jnp.int32, (B, C), 1)

    def count_gt(x):
        return jnp.sum(jnp.where(u > x, jnp.int32(1), jnp.int32(0)),
                       axis=1, keepdims=True)

    def val_step(_, carry):
        lo, hi = carry
        mid = lo + (hi - lo) // 2
        ge = count_gt(mid) >= K
        return jnp.where(ge, mid + 1, lo), jnp.where(ge, hi, mid)

    lo0 = jnp.zeros((B, 1), jnp.int32)
    hi0 = jnp.full((B, 1), jnp.int32(0x7F800000))
    lo, hi = lax.fori_loop(0, 31, val_step, (lo0, hi0))
    t = lo

    gt = u > t
    eq = u == t
    n_gt = jnp.sum(jnp.where(gt, jnp.int32(1), jnp.int32(0)), axis=1,
                   keepdims=True)
    m = jnp.int32(K) - n_gt

    def count_eq_le(j):
        sel = jnp.logical_and(eq, col <= j)
        return jnp.sum(jnp.where(sel, jnp.int32(1), jnp.int32(0)), axis=1,
                       keepdims=True)

    def idx_step(_, carry):
        jlo, jhi = carry
        jmid = jlo + (jhi - jlo) // 2
        enough = count_eq_le(jmid) >= m
        return jnp.where(enough, jlo, jmid + 1), jnp.where(enough, jmid, jhi)

    jlo0 = jnp.zeros((B, 1), jnp.int32)
    jhi0 = jnp.full((B, 1), jnp.int32(C - 1))
    jlo, jhi = lax.fori_loop(0, 16, idx_step, (jlo0, jhi0))
    cutoff = jnp.where(m > 0, jlo, jnp.int32(-1))

    sel = jnp.logical_or(gt, jnp.logical_and(eq, col <= cutoff))
    mv = jnp.where(sel, v, jnp.float32(0))
    mv_ref[...] = mv

    lab = labels_ref[...]
    liota = lax.broadcasted_iota(jnp.int32, (L, C), 0)
    wt = jnp.where(lab == liota,
                   jnp.maximum(clsT_ref[...], jnp.float32(0)).astype(jnp.bfloat16),
                   jnp.bfloat16(0))
    vhi = mv.astype(jnp.bfloat16)
    vlo = (mv - vhi.astype(jnp.float32)).astype(jnp.bfloat16)
    nt = (((1,), (1,)), ((), ()))
    out = (lax.dot_general(vhi, wt, nt, preferred_element_type=jnp.float32)
           + lax.dot_general(vlo, wt, nt, preferred_element_type=jnp.float32))
    out = out + clsb_ref[...]
    out_ref[...] = out

    mx = jnp.max(out, axis=1, keepdims=True)
    li = lax.broadcasted_iota(jnp.int32, (B, L), 1)
    pred = jnp.min(jnp.where(out == mx, li, jnp.int32(C)), axis=1)
    pred_ref[...] = pred[None]


@jax.jit
def kernel(query, cases, case_labels, fa_weight, ca_weight, ca_bias,
           cls_weight, cls_bias):
    cases_flat = cases.reshape(R, 128)
    q4 = jnp.tile(query, (1, G))
    faw4 = jnp.tile(fa_weight.reshape(1, F), (1, G))
    caw4 = jnp.tile(ca_weight.reshape(1, F), (1, G))
    cabT = ca_bias.reshape(R, G).T

    fa_flat, vT = pl.pallas_call(
        _phase_a_body,
        grid=(B,),
        in_specs=[
            pl.BlockSpec((R, 128), lambda i: (0, 0)),
            pl.BlockSpec((B, 128), lambda i: (0, 0)),
            pl.BlockSpec((1, 128), lambda i: (0, 0)),
            pl.BlockSpec((1, 128), lambda i: (0, 0)),
            pl.BlockSpec((G, R), lambda i: (0, 0)),
        ],
        out_specs=[
            pl.BlockSpec((1, R, 128), lambda i: (i, 0, 0)),
            pl.BlockSpec((1, G, R), lambda i: (i, 0, 0)),
        ],
        out_shape=[
            jax.ShapeDtypeStruct((B, R, 128), jnp.float32),
            jax.ShapeDtypeStruct((B, G, R), jnp.float32),
        ],
    )(cases_flat, q4, faw4, caw4, cabT)
    v = jnp.swapaxes(vT, 1, 2).reshape(B, C)

    labels = case_labels.reshape(1, C)
    clsT = cls_weight.T
    clsb = cls_bias.reshape(1, L)

    mv, out, pred = pl.pallas_call(
        _phase_b_body,
        in_specs=[
            pl.BlockSpec((B, C), lambda: (0, 0)),
            pl.BlockSpec((1, C), lambda: (0, 0)),
            pl.BlockSpec((L, C), lambda: (0, 0)),
            pl.BlockSpec((1, L), lambda: (0, 0)),
        ],
        out_specs=[
            pl.BlockSpec((B, C), lambda: (0, 0)),
            pl.BlockSpec((B, L), lambda: (0, 0)),
            pl.BlockSpec((1, B), lambda: (0, 0)),
        ],
        out_shape=[
            jax.ShapeDtypeStruct((B, C), jnp.float32),
            jax.ShapeDtypeStruct((B, L), jnp.float32),
            jax.ShapeDtypeStruct((1, B), jnp.int32),
        ],
    )(v, labels, clsT, clsb)

    feature_activations = fa_flat.reshape(B, C, F)
    return feature_activations, mv, out, pred.reshape(B)

# --- scband reference (transcript-rebuilt; emitter-appended) ---
"""Pipeline reference for scband-nn-k-nn-87737591923047 (READ-ONLY COPY).

The authoritative reference and input builder live on the scoring server;
editing this copy changes nothing except your own understanding.
"""

import jax, jax.numpy as jnp
import numpy as np

BATCH = 32
NUM_CASES = 50000
NUM_FEATURES = 32
NUM_CLASSES = 10
TOP_K = 32
DISCOUNT = 1.0


def setup_inputs(seed: int = 0) -> dict:
    key = jax.random.key(seed)
    k1, k2, k3 = jax.random.split(key, 3)
    query = jax.random.normal(k1, (BATCH, NUM_FEATURES), dtype=jnp.float32)
    cases = jax.random.normal(k2, (NUM_CASES, NUM_FEATURES), dtype=jnp.float32)
    case_labels = jax.random.randint(k3, (NUM_CASES,), 0, NUM_CLASSES)
    # learned parameters (init values match torch module: ones for weights)
    fa_weight = jnp.ones((NUM_FEATURES,), dtype=jnp.float32)      # FeatureActivationLayer
    ca_weight = jnp.ones((NUM_FEATURES,), dtype=jnp.float32)      # CaseActivationLayer (weight_sharing=True)
    ca_bias = jnp.zeros((NUM_CASES,), dtype=jnp.float32)          # CaseActivationLayer per-case bias
    cls_weight = jnp.ones((NUM_CASES, NUM_CLASSES), dtype=jnp.float32)  # ClassActivationLayer ca_weight
    cls_bias = jnp.ones((NUM_CLASSES,), dtype=jnp.float32)        # ClassActivationLayer bias
    return {
        "query": query,
        "cases": cases,
        "case_labels": case_labels,
        "fa_weight": fa_weight,
        "ca_weight": ca_weight,
        "ca_bias": ca_bias,
        "cls_weight": cls_weight,
        "cls_bias": cls_bias,
    }


def reference(query, cases, case_labels, fa_weight, ca_weight, ca_bias, cls_weight, cls_bias):
    # FeatureActivationLayer: per-feature activation for every (query, case) pair
    diff = jnp.abs(query[:, None, :] - cases[None, :, :])          # [B, C, F]
    feature_activations = jnp.exp(-diff * jax.nn.relu(fa_weight))  # [B, C, F]

    # CaseActivationLayer (weight sharing across cases): weighted sum over features
    ca = jnp.einsum('bcf,f->bc', feature_activations, jax.nn.relu(ca_weight)) + ca_bias[None, :]
    case_activations = jax.nn.sigmoid(DISCOUNT * ca)               # [B, C]

    # TopCaseLayer: keep only the top_k case activations per query, zero the rest
    vals, idx = jax.lax.top_k(case_activations, TOP_K)
    rows = jnp.arange(case_activations.shape[0])[:, None]
    case_activations = jnp.zeros_like(case_activations).at[rows, idx].set(vals)

    # ClassActivationLayer with case_class_constrain_v1 + v2:
    # mask[i, j] = 1 iff j == case_labels[i]
    mask = jax.nn.one_hot(case_labels, NUM_CLASSES, dtype=cls_weight.dtype)  # [C, L]
    constrained_weight = mask * jax.nn.relu(cls_weight)
    output = jnp.matmul(case_activations, constrained_weight) + cls_bias    # [B, L]

    predicted_class = jnp.argmax(output, axis=1)
    return (feature_activations, case_activations, output, predicted_class)

if __name__ == "__main__":
    import jax
    _d = setup_inputs()
    print(jax.jit(kernel)(*tuple(_d.values())))

</pallas_src>

<mosaic_0001>
module attributes {stable_mosaic.version = 14 : i64} {
  func.func @_phase_a_body(%arg0: i32, %arg1: memref<12500x128xf32, #tpu.memory_space<vmem>>, %arg2: memref<32x128xf32, #tpu.memory_space<vmem>>, %arg3: memref<1x128xf32, #tpu.memory_space<vmem>>, %arg4: memref<1x128xf32, #tpu.memory_space<vmem>>, %arg5: memref<4x12500xf32, #tpu.memory_space<vmem>>, %arg6: memref<1x12500x128xf32, #tpu.memory_space<vmem>>, %arg7: memref<1x4x12500xf32, #tpu.memory_space<vmem>>) attributes {dimension_semantics = [#tpu.dimension_semantics<arbitrary>], iteration_bounds = array<i64: 32>, scalar_prefetch = 0 : i64, scratch_operands = 0 : i64, tpu.core_type = #tpu.core_type<tc>, window_params = [{pipeline_mode = #tpu.pipeline_mode<synchronous>, transform_indices = @transform_0, window_bounds = array<i64: 12500, 128>}, {pipeline_mode = #tpu.pipeline_mode<synchronous>, transform_indices = @transform_1, window_bounds = array<i64: 32, 128>}, {pipeline_mode = #tpu.pipeline_mode<synchronous>, transform_indices = @transform_2, window_bounds = array<i64: 1, 128>}, {pipeline_mode = #tpu.pipeline_mode<synchronous>, transform_indices = @transform_3, window_bounds = array<i64: 1, 128>}, {pipeline_mode = #tpu.pipeline_mode<synchronous>, transform_indices = @transform_4, window_bounds = array<i64: 4, 12500>}, {transform_indices = @transform_5, window_bounds = array<i64: 1, 12500, 128>}, {transform_indices = @transform_6, window_bounds = array<i64: 1, 4, 12500>}]} {
    %get3A = arith.constant 0 : index
    %get3A_0 = arith.constant 0 : index
    %get3A_1 = vector.load %arg1[%get3A, %get3A_0] : memref<12500x128xf32, #tpu.memory_space<vmem>>, vector<12500x128xf32>
    %get3A_2 = arith.constant 0 : index
    %get3A_3 = arith.constant 0 : index
    %get3A_4 = vector.load %arg2[%get3A_2, %get3A_3] : memref<32x128xf32, #tpu.memory_space<vmem>>, vector<32x128xf32>
    %iota3A = tpu.iota {dimensions = array<i32: 0>} : vector<32x128xi32>
    %eq3A = vector.broadcast %arg0 : i32 to vector<32x128xi32>
    %eq3A_5 = arith.cmpi eq, %iota3A, %eq3A : vector<32x128xi32>
    %jit3A = arith.constant 0.000000e+00 : f32
    %broadcast_in_dim3A = vector.broadcast %jit3A : f32 to vector<32x128xf32>
    %select_n3A = arith.select %eq3A_5, %get3A_4, %broadcast_in_dim3A : vector<32x128xi1>, vector<32x128xf32>
    %reduce_sum3A = arith.constant dense<0.000000e+00> : vector<128xf32>
    %reduce_sum3A_6 = vector.multi_reduction <add>, %select_n3A, %reduce_sum3A [0] : vector<32x128xf32> to vector<128xf32>
    %broadcast_in_dim3A_7 = vector.shape_cast %reduce_sum3A_6 : vector<128xf32> to vector<1x128xf32>
    %get3A_8 = arith.constant 0 : index
    %get3A_9 = arith.constant 0 : index
    %get3A_10 = vector.load %arg3[%get3A_8, %get3A_9] : memref<1x128xf32, #tpu.memory_space<vmem>>, vector<1x128xf32>
    %max3A = arith.constant 0.000000e+00 : f32
    %max3A_11 = vector.broadcast %max3A : f32 to vector<1x128xf32>
    %max3A_12 = arith.maximumf %get3A_10, %max3A_11 : vector<1x128xf32>
    %sub3A = vector.broadcast %broadcast_in_dim3A_7 : vector<1x128xf32> to vector<12500x128xf32>
    %sub3A_13 = arith.subf %sub3A, %get3A_1 : vector<12500x128xf32>
    %abs3A = math.absf %sub3A_13 : vector<12500x128xf32>
    %neg3A = arith.constant 0.000000e+00 : f32
    %neg3A_14 = vector.broadcast %neg3A : f32 to vector<12500x128xf32>
    %neg3A_15 = arith.subf %neg3A_14, %abs3A : vector<12500x128xf32>
    %mul3A = vector.broadcast %max3A_12 : vector<1x128xf32> to vector<12500x128xf32>
    %mul3A_16 = arith.mulf %neg3A_15, %mul3A : vector<12500x128xf32>
    %exp3A = math.exp %mul3A_16 : vector<12500x128xf32>
    %swap3A = arith.constant 0 : index
    %swap3A_17 = arith.constant 0 : index
    %swap3A_18 = arith.constant 0 : index
    %swap3A_19 = vector.load %arg6[%swap3A, %swap3A_17, %swap3A_18] : memref<1x12500x128xf32, #tpu.memory_space<vmem>>, vector<1x12500x128xf32>
    %swap3A_20 = vector.shape_cast %swap3A_19 : vector<1x12500x128xf32> to vector<12500x128xf32>
    %swap3A_21 = vector.shape_cast %exp3A : vector<12500x128xf32> to vector<1x12500x128xf32>
    tpu.vector_store %arg6[%swap3A, %swap3A_17, %swap3A_18], %swap3A_21 {strides = array<i32>} : memref<1x12500x128xf32, #tpu.memory_space<vmem>>, vector<1x12500x128xf32>,
    %iota3A_22 = tpu.iota {dimensions = array<i32: 0>} : vector<4x128xi32>
    %iota3A_23 = tpu.iota {dimensions = array<i32: 1>} : vector<4x128xi32>
    %get3A_24 = arith.constant 0 : index
    %get3A_25 = arith.constant 0 : index
    %get3A_26 = vector.load %arg4[%get3A_24, %get3A_25] : memref<1x128xf32, #tpu.memory_space<vmem>>, vector<1x128xf32>
    %max3A_27 = arith.constant 0.000000e+00 : f32
    %max3A_28 = vector.broadcast %max3A_27 : f32 to vector<1x128xf32>
    %max3A_29 = arith.maximumf %get3A_26, %max3A_28 : vector<1x128xf32>
    %jit3A_30 = arith.constant 32 : i32
    %div3A = vector.broadcast %jit3A_30 : i32 to vector<4x128xi32>
    %div3A_31 = arith.divsi %iota3A_23, %div3A : vector<4x128xi32>
    %sign3A = arith.constant 0 : i32
    %sign3A_32 = vector.broadcast %sign3A : i32 to vector<4x128xi32>
    %sign3A_33 = arith.cmpi sgt, %iota3A_23, %sign3A_32 : vector<4x128xi32>
    %sign3A_34 = arith.extui %sign3A_33 : vector<4x128xi1> to vector<4x128xi32>
    %sign3A_35 = arith.constant 0 : i32
    %sign3A_36 = vector.broadcast %sign3A_35 : i32 to vector<4x128xi32>
    %sign3A_37 = arith.cmpi slt, %iota3A_23, %sign3A_36 : vector<4x128xi32>
    %sign3A_38 = arith.extui %sign3A_37 : vector<4x128xi1> to vector<4x128xi32>
    %sign3A_39 = arith.subi %sign3A_34, %sign3A_38 : vector<4x128xi32>
    %sign3A_40 = arith.constant 0 : i32
    %sign3A_41 = arith.cmpi sgt, %jit3A_30, %sign3A_40 : i32
    %sign3A_42 = arith.extui %sign3A_41 : i1 to i32
    %sign3A_43 = arith.constant 0 : i32
    %sign3A_44 = arith.cmpi slt, %jit3A_30, %sign3A_43 : i32
    %sign3A_45 = arith.extui %sign3A_44 : i1 to i32
    %sign3A_46 = arith.subi %sign3A_42, %sign3A_45 : i32
    %ne3A = vector.broadcast %sign3A_46 : i32 to vector<4x128xi32>
    %ne3A_47 = arith.cmpi ne, %sign3A_39, %ne3A : vector<4x128xi32>
    %rem3A = vector.broadcast %jit3A_30 : i32 to vector<4x128xi32>
    %rem3A_48 = arith.remsi %iota3A_23, %rem3A : vector<4x128xi32>
    %ne3A_49 = arith.constant 0 : i32
    %ne3A_50 = vector.broadcast %ne3A_49 : i32 to vector<4x128xi32>
    %ne3A_51 = arith.cmpi ne, %rem3A_48, %ne3A_50 : vector<4x128xi32>
    %and3A = arith.andi %ne3A_47, %ne3A_51 : vector<4x128xi1>
    %sub3A_52 = arith.constant 1 : i32
    %sub3A_53 = vector.broadcast %sub3A_52 : i32 to vector<4x128xi32>
    %sub3A_54 = arith.subi %div3A_31, %sub3A_53 : vector<4x128xi32>
    %select_n3A_55 = arith.select %and3A, %sub3A_54, %div3A_31 : vector<4x128xi1>, vector<4x128xi32>
    %eq3A_56 = arith.cmpi eq, %select_n3A_55, %iota3A_22 : vector<4x128xi32>
    %jit3A_57 = arith.constant 0.000000e+00 : f32
    %broadcast_in_dim3A_58 = vector.shape_cast %max3A_29 : vector<1x128xf32> to vector<1x128xf32>
    %broadcast_in_dim3A_59 = vector.broadcast %broadcast_in_dim3A_58 : vector<1x128xf32> to vector<4x128xf32>
    %broadcast_in_dim3A_60 = vector.broadcast %jit3A_57 : f32 to vector<4x128xf32>
    %select_n3A_61 = arith.select %eq3A_56, %broadcast_in_dim3A_59, %broadcast_in_dim3A_60 : vector<4x128xi1>, vector<4x128xf32>
    %convert_element_type3A = arith.truncf %select_n3A_61 : vector<4x128xf32> to vector<4x128xbf16>
    %convert_element_type3A_62 = arith.truncf %exp3A : vector<12500x128xf32> to vector<12500x128xbf16>
    %convert_element_type3A_63 = arith.extf %convert_element_type3A_62 : vector<12500x128xbf16> to vector<12500x128xf32>
    %sub3A_64 = arith.subf %exp3A, %convert_element_type3A_63 : vector<12500x128xf32>
    %convert_element_type3A_65 = arith.truncf %sub3A_64 : vector<12500x128xf32> to vector<12500x128xbf16>
    %dot_general3A = arith.constant dense<0.000000e+00> : vector<4x12500xf32>
    %dot_general3A_66 = tpu.matmul %convert_element_type3A, %convert_element_type3A_62, %dot_general3A {dimension_numbers = #tpu.dot_dimension_numbers<[1], [1], [0], [0], [0, 0, 1, 0], [], []>, transpose_lhs_hint = false} : vector<4x128xbf16>, vector<12500x128xbf16>, vector<4x12500xf32> -> vector<4x12500xf32>
    %dot_general3A_67 = arith.constant dense<0.000000e+00> : vector<4x12500xf32>
    %dot_general3A_68 = tpu.matmul %convert_element_type3A, %convert_element_type3A_65, %dot_general3A_67 {dimension_numbers = #tpu.dot_dimension_numbers<[1], [1], [0], [0], [0, 0, 1, 0], [], []>, transpose_lhs_hint = false} : vector<4x128xbf16>, vector<12500x128xbf16>, vector<4x12500xf32> -> vector<4x12500xf32>
    %add3A = arith.addf %dot_general3A_66, %dot_general3A_68 : vector<4x12500xf32>
    %get3A_69 = arith.constant 0 : index
    %get3A_70 = arith.constant 0 : index
    %get3A_71 = vector.load %arg5[%get3A_69, %get3A_70] : memref<4x12500xf32, #tpu.memory_space<vmem>>, vector<4x12500xf32>
    %add3A_72 = arith.addf %add3A, %get3A_71 : vector<4x12500xf32>
    %neg3A_73 = arith.constant 0.000000e+00 : f32
    %neg3A_74 = vector.broadcast %neg3A_73 : f32 to vector<4x12500xf32>
    %neg3A_75 = arith.subf %neg3A_74, %add3A_72 : vector<4x12500xf32>
    %exp3A_76 = math.exp %neg3A_75 : vector<4x12500xf32>
    %add3A_77 = arith.constant 1.000000e+00 : f32
    %add3A_78 = vector.broadcast %add3A_77 : f32 to vector<4x12500xf32>
    %add3A_79 = arith.addf %exp3A_76, %add3A_78 : vector<4x12500xf32>
    %div3A_80 = arith.constant 1.000000e+00 : f32
    %div3A_81 = vector.broadcast %div3A_80 : f32 to vector<4x12500xf32>
    %div3A_82 = arith.divf %div3A_81, %add3A_79 : vector<4x12500xf32>
    %swap3A_83 = arith.constant 0 : index
    %swap3A_84 = arith.constant 0 : index
    %swap3A_85 = arith.constant 0 : index
    %swap3A_86 = vector.load %arg7[%swap3A_83, %swap3A_84, %swap3A_85] : memref<1x4x12500xf32, #tpu.memory_space<vmem>>, vector<1x4x12500xf32>
    %swap3A_87 = vector.shape_cast %swap3A_86 : vector<1x4x12500xf32> to vector<4x12500xf32>
    %swap3A_88 = vector.shape_cast %div3A_82 : vector<4x12500xf32> to vector<1x4x12500xf32>
    tpu.vector_store %arg7[%swap3A_83, %swap3A_84, %swap3A_85], %swap3A_88 {strides = array<i32>} : memref<1x4x12500xf32, #tpu.memory_space<vmem>>, vector<1x4x12500xf32>,
    return
  }
  func.func @transform_0(%arg0: i32) -> (i32, i32) {
    %c0_i32 = arith.constant 0 : i32
    %c0_i32_0 = arith.constant 0 : i32
    %c0_i32_1 = arith.constant 0 : i32
    return %c0_i32, %c0_i32_0 : i32, i32
  }
  func.func @transform_1(%arg0: i32) -> (i32, i32) {
    %c0_i32 = arith.constant 0 : i32
    %c0_i32_0 = arith.constant 0 : i32
    %c0_i32_1 = arith.constant 0 : i32
    return %c0_i32, %c0_i32_0 : i32, i32
  }
  func.func @transform_2(%arg0: i32) -> (i32, i32) {
    %c0_i32 = arith.constant 0 : i32
    %c0_i32_0 = arith.constant 0 : i32
    %c0_i32_1 = arith.constant 0 : i32
    return %c0_i32, %c0_i32_0 : i32, i32
  }
  func.func @transform_3(%arg0: i32) -> (i32, i32) {
    %c0_i32 = arith.constant 0 : i32
    %c0_i32_0 = arith.constant 0 : i32
    %c0_i32_1 = arith.constant 0 : i32
    return %c0_i32, %c0_i32_0 : i32, i32
  }
  func.func @transform_4(%arg0: i32) -> (i32, i32) {
    %c0_i32 = arith.constant 0 : i32
    %c0_i32_0 = arith.constant 0 : i32
    %c0_i32_1 = arith.constant 0 : i32
    return %c0_i32, %c0_i32_0 : i32, i32
  }
  func.func @transform_5(%arg0: i32) -> (i32, i32, i32) {
    %c0_i32 = arith.constant 0 : i32
    %c0_i32_0 = arith.constant 0 : i32
    %c0_i32_1 = arith.constant 0 : i32
    return %arg0, %c0_i32, %c0_i32_0 : i32, i32, i32
  }
  func.func @transform_6(%arg0: i32) -> (i32, i32, i32) {
    %c0_i32 = arith.constant 0 : i32
    %c0_i32_0 = arith.constant 0 : i32
    %c0_i32_1 = arith.constant 0 : i32
    return %arg0, %c0_i32, %c0_i32_0 : i32, i32, i32
  }
}

module attributes {stable_mosaic.version = 14 : i64} {
  func.func @_phase_b_body(%arg0: memref<32x50000xf32, #tpu.memory_space<vmem>>, %arg1: memref<1x50000xi32, #tpu.memory_space<vmem>>, %arg2: memref<10x50000xf32, #tpu.memory_space<vmem>>, %arg3: memref<1x10xf32, #tpu.memory_space<vmem>>, %arg4: memref<32x50000xf32, #tpu.memory_space<vmem>>, %arg5: memref<32x10xf32, #tpu.memory_space<vmem>>, %arg6: memref<1x32xi32, #tpu.memory_space<vmem>>) attributes {dimension_semantics = [], scalar_prefetch = 0 : i64, scratch_operands = 0 : i64, tpu.core_type = #tpu.core_type<tc>} {
    %get3A = arith.constant 0 : index
    %get3A_0 = arith.constant 0 : index
    %get3A_1 = vector.load %arg0[%get3A, %get3A_0] : memref<32x50000xf32, #tpu.memory_space<vmem>>, vector<32x50000xf32>
    %bitcast_convert_type3A = tpu.bitcast %get3A_1 : vector<32x50000xf32> -> vector<32x50000xi32>
    %iota3A = tpu.iota {dimensions = array<i32: 1>} : vector<32x50000xi32>
    %broadcast_in_dim3A = arith.constant 0 : i32
    %broadcast_in_dim3A_2 = vector.broadcast %broadcast_in_dim3A : i32 to vector<32x1xi32>
    %broadcast_in_dim3A_3 = arith.constant 2139095040 : i32
    %broadcast_in_dim3A_4 = vector.broadcast %broadcast_in_dim3A_3 : i32 to vector<32x1xi32>
    %scan3A = arith.constant 0 : i32
    %scan3A_5 = arith.constant 31 : i32
    %scan3A_6 = arith.addi %scan3A, %scan3A_5 : i32
    %scan3A_7 = arith.constant 1 : i32
    %scan3A_8:2 = scf.for %scan3A_81 = %scan3A to %scan3A_6 step %scan3A_7 iter_args(%scan3A_82 = %broadcast_in_dim3A_2, %scan3A_83 = %broadcast_in_dim3A_4) -> (vector<32x1xi32>, vector<32x1xi32>)  : i32 {
      %sub3A_84 = arith.subi %scan3A_83, %scan3A_82 : vector<32x1xi32>
      %jit3A_85 = arith.constant 2 : i32
      %div3A = vector.broadcast %jit3A_85 : i32 to vector<32x1xi32>
      %div3A_86 = arith.divsi %sub3A_84, %div3A : vector<32x1xi32>
      %sign3A = arith.constant 0 : i32
      %sign3A_87 = vector.broadcast %sign3A : i32 to vector<32x1xi32>
      %sign3A_88 = arith.cmpi sgt, %sub3A_84, %sign3A_87 : vector<32x1xi32>
      %sign3A_89 = arith.extui %sign3A_88 : vector<32x1xi1> to vector<32x1xi32>
      %sign3A_90 = arith.constant 0 : i32
      %sign3A_91 = vector.broadcast %sign3A_90 : i32 to vector<32x1xi32>
      %sign3A_92 = arith.cmpi slt, %sub3A_84, %sign3A_91 : vector<32x1xi32>
      %sign3A_93 = arith.extui %sign3A_92 : vector<32x1xi1> to vector<32x1xi32>
      %sign3A_94 = arith.subi %sign3A_89, %sign3A_93 : vector<32x1xi32>
      %sign3A_95 = arith.constant 0 : i32
      %sign3A_96 = arith.cmpi sgt, %jit3A_85, %sign3A_95 : i32
      %sign3A_97 = arith.extui %sign3A_96 : i1 to i32
      %sign3A_98 = arith.constant 0 : i32
      %sign3A_99 = arith.cmpi slt, %jit3A_85, %sign3A_98 : i32
      %sign3A_100 = arith.extui %sign3A_99 : i1 to i32
      %sign3A_101 = arith.subi %sign3A_97, %sign3A_100 : i32
      %ne3A = vector.broadcast %sign3A_101 : i32 to vector<32x1xi32>
      %ne3A_102 = arith.cmpi ne, %sign3A_94, %ne3A : vector<32x1xi32>
      %rem3A = vector.broadcast %jit3A_85 : i32 to vector<32x1xi32>
      %rem3A_103 = arith.remsi %sub3A_84, %rem3A : vector<32x1xi32>
      %ne3A_104 = arith.constant 0 : i32
      %ne3A_105 = vector.broadcast %ne3A_104 : i32 to vector<32x1xi32>
      %ne3A_106 = arith.cmpi ne, %rem3A_103, %ne3A_105 : vector<32x1xi32>
      %and3A_107 = arith.andi %ne3A_102, %ne3A_106 : vector<32x1xi1>
      %sub3A_108 = arith.constant 1 : i32
      %sub3A_109 = vector.broadcast %sub3A_108 : i32 to vector<32x1xi32>
      %sub3A_110 = arith.subi %div3A_86, %sub3A_109 : vector<32x1xi32>
      %select_n3A_111 = arith.select %and3A_107, %sub3A_110, %div3A_86 : vector<32x1xi1>, vector<32x1xi32>
      %add3A_112 = arith.addi %scan3A_82, %select_n3A_111 : vector<32x1xi32>
      %gt3A_113 = vector.broadcast %add3A_112 : vector<32x1xi32> to vector<32x50000xi32>
      %gt3A_114 = arith.cmpi sgt, %bitcast_convert_type3A, %gt3A_113 : vector<32x50000xi32>
      %jit3A_115 = arith.constant 1 : i32
      %jit3A_116 = arith.constant 0 : i32
      %broadcast_in_dim3A_117 = vector.broadcast %jit3A_115 : i32 to vector<32x50000xi32>
      %broadcast_in_dim3A_118 = vector.broadcast %jit3A_116 : i32 to vector<32x50000xi32>
      %select_n3A_119 = arith.select %gt3A_114, %broadcast_in_dim3A_117, %broadcast_in_dim3A_118 : vector<32x50000xi1>, vector<32x50000xi32>
      %reduce_sum3A_120 = arith.constant dense<0> : vector<32xi32>
      %reduce_sum3A_121 = vector.multi_reduction <add>, %select_n3A_119, %reduce_sum3A_120 [1] : vector<32x50000xi32> to vector<32xi32>
      %broadcast_in_dim3A_122 = vector.shape_cast %reduce_sum3A_121 : vector<32xi32> to vector<32x1xi32>
      %ge3A = arith.constant 32 : i32
      %ge3A_123 = vector.broadcast %ge3A : i32 to vector<32x1xi32>
      %ge3A_124 = arith.cmpi sge, %broadcast_in_dim3A_122, %ge3A_123 : vector<32x1xi32>
      %add3A_125 = arith.constant 1 : i32
      %add3A_126 = vector.broadcast %add3A_125 : i32 to vector<32x1xi32>
      %add3A_127 = arith.addi %add3A_112, %add3A_126 : vector<32x1xi32>
      %select_n3A_128 = arith.select %ge3A_124, %add3A_127, %scan3A_82 : vector<32x1xi1>, vector<32x1xi32>
      %select_n3A_129 = arith.select %ge3A_124, %scan3A_83, %add3A_112 : vector<32x1xi1>, vector<32x1xi32>
      scf.yield %select_n3A_128, %select_n3A_129 : vector<32x1xi32>, vector<32x1xi32>
    }
    %gt3A = vector.broadcast %scan3A_8#0 : vector<32x1xi32> to vector<32x50000xi32>
    %gt3A_9 = arith.cmpi sgt, %bitcast_convert_type3A, %gt3A : vector<32x50000xi32>
    %eq3A = vector.broadcast %scan3A_8#0 : vector<32x1xi32> to vector<32x50000xi32>
    %eq3A_10 = arith.cmpi eq, %bitcast_convert_type3A, %eq3A : vector<32x50000xi32>
    %jit3A = arith.constant 1 : i32
    %jit3A_11 = arith.constant 0 : i32
    %broadcast_in_dim3A_12 = vector.broadcast %jit3A : i32 to vector<32x50000xi32>
    %broadcast_in_dim3A_13 = vector.broadcast %jit3A_11 : i32 to vector<32x50000xi32>
    %select_n3A = arith.select %gt3A_9, %broadcast_in_dim3A_12, %broadcast_in_dim3A_13 : vector<32x50000xi1>, vector<32x50000xi32>
    %reduce_sum3A = arith.constant dense<0> : vector<32xi32>
    %reduce_sum3A_14 = vector.multi_reduction <add>, %select_n3A, %reduce_sum3A [1] : vector<32x50000xi32> to vector<32xi32>
    %broadcast_in_dim3A_15 = vector.shape_cast %reduce_sum3A_14 : vector<32xi32> to vector<32x1xi32>
    %sub3A = arith.constant 32 : i32
    %sub3A_16 = vector.broadcast %sub3A : i32 to vector<32x1xi32>
    %sub3A_17 = arith.subi %sub3A_16, %broadcast_in_dim3A_15 : vector<32x1xi32>
    %broadcast_in_dim3A_18 = arith.constant 0 : i32
    %broadcast_in_dim3A_19 = vector.broadcast %broadcast_in_dim3A_18 : i32 to vector<32x1xi32>
    %broadcast_in_dim3A_20 = arith.constant 49999 : i32
    %broadcast_in_dim3A_21 = vector.broadcast %broadcast_in_dim3A_20 : i32 to vector<32x1xi32>
    %scan3A_22 = arith.constant 0 : i32
    %scan3A_23 = arith.constant 16 : i32
    %scan3A_24 = arith.addi %scan3A_22, %scan3A_23 : i32
    %scan3A_25 = arith.constant 1 : i32
    %scan3A_26:2 = scf.for %scan3A_81 = %scan3A_22 to %scan3A_24 step %scan3A_25 iter_args(%scan3A_82 = %broadcast_in_dim3A_19, %scan3A_83 = %broadcast_in_dim3A_21) -> (vector<32x1xi32>, vector<32x1xi32>)  : i32 {
      %sub3A_84 = arith.subi %scan3A_83, %scan3A_82 : vector<32x1xi32>
      %jit3A_85 = arith.constant 2 : i32
      %div3A = vector.broadcast %jit3A_85 : i32 to vector<32x1xi32>
      %div3A_86 = arith.divsi %sub3A_84, %div3A : vector<32x1xi32>
      %sign3A = arith.constant 0 : i32
      %sign3A_87 = vector.broadcast %sign3A : i32 to vector<32x1xi32>
      %sign3A_88 = arith.cmpi sgt, %sub3A_84, %sign3A_87 : vector<32x1xi32>
      %sign3A_89 = arith.extui %sign3A_88 : vector<32x1xi1> to vector<32x1xi32>
      %sign3A_90 = arith.constant 0 : i32
      %sign3A_91 = vector.broadcast %sign3A_90 : i32 to vector<32x1xi32>
      %sign3A_92 = arith.cmpi slt, %sub3A_84, %sign3A_91 : vector<32x1xi32>
      %sign3A_93 = arith.extui %sign3A_92 : vector<32x1xi1> to vector<32x1xi32>
      %sign3A_94 = arith.subi %sign3A_89, %sign3A_93 : vector<32x1xi32>
      %sign3A_95 = arith.constant 0 : i32
      %sign3A_96 = arith.cmpi sgt, %jit3A_85, %sign3A_95 : i32
      %sign3A_97 = arith.extui %sign3A_96 : i1 to i32
      %sign3A_98 = arith.constant 0 : i32
      %sign3A_99 = arith.cmpi slt, %jit3A_85, %sign3A_98 : i32
      %sign3A_100 = arith.extui %sign3A_99 : i1 to i32
      %sign3A_101 = arith.subi %sign3A_97, %sign3A_100 : i32
      %ne3A = vector.broadcast %sign3A_101 : i32 to vector<32x1xi32>
      %ne3A_102 = arith.cmpi ne, %sign3A_94, %ne3A : vector<32x1xi32>
      %rem3A = vector.broadcast %jit3A_85 : i32 to vector<32x1xi32>
      %rem3A_103 = arith.remsi %sub3A_84, %rem3A : vector<32x1xi32>
      %ne3A_104 = arith.constant 0 : i32
      %ne3A_105 = vector.broadcast %ne3A_104 : i32 to vector<32x1xi32>
      %ne3A_106 = arith.cmpi ne, %rem3A_103, %ne3A_105 : vector<32x1xi32>
      %and3A_107 = arith.andi %ne3A_102, %ne3A_106 : vector<32x1xi1>
      %sub3A_108 = arith.constant 1 : i32
      %sub3A_109 = vector.broadcast %sub3A_108 : i32 to vector<32x1xi32>
      %sub3A_110 = arith.subi %div3A_86, %sub3A_109 : vector<32x1xi32>
      %select_n3A_111 = arith.select %and3A_107, %sub3A_110, %div3A_86 : vector<32x1xi1>, vector<32x1xi32>
      %add3A_112 = arith.addi %scan3A_82, %select_n3A_111 : vector<32x1xi32>
      %le3A_113 = vector.broadcast %add3A_112 : vector<32x1xi32> to vector<32x50000xi32>
      %le3A_114 = arith.cmpi sle, %iota3A, %le3A_113 : vector<32x50000xi32>
      %and3A_115 = arith.andi %eq3A_10, %le3A_114 : vector<32x50000xi1>
      %jit3A_116 = arith.constant 1 : i32
      %jit3A_117 = arith.constant 0 : i32
      %broadcast_in_dim3A_118 = vector.broadcast %jit3A_116 : i32 to vector<32x50000xi32>
      %broadcast_in_dim3A_119 = vector.broadcast %jit3A_117 : i32 to vector<32x50000xi32>
      %select_n3A_120 = arith.select %and3A_115, %broadcast_in_dim3A_118, %broadcast_in_dim3A_119 : vector<32x50000xi1>, vector<32x50000xi32>
      %reduce_sum3A_121 = arith.constant dense<0> : vector<32xi32>
      %reduce_sum3A_122 = vector.multi_reduction <add>, %select_n3A_120, %reduce_sum3A_121 [1] : vector<32x50000xi32> to vector<32xi32>
      %broadcast_in_dim3A_123 = vector.shape_cast %reduce_sum3A_122 : vector<32xi32> to vector<32x1xi32>
      %ge3A = arith.cmpi sge, %broadcast_in_dim3A_123, %sub3A_17 : vector<32x1xi32>
      %add3A_124 = arith.constant 1 : i32
      %add3A_125 = vector.broadcast %add3A_124 : i32 to vector<32x1xi32>
      %add3A_126 = arith.addi %add3A_112, %add3A_125 : vector<32x1xi32>
      %select_n3A_127 = arith.select %ge3A, %scan3A_82, %add3A_126 : vector<32x1xi1>, vector<32x1xi32>
      %select_n3A_128 = arith.select %ge3A, %add3A_112, %scan3A_83 : vector<32x1xi1>, vector<32x1xi32>
      scf.yield %select_n3A_127, %select_n3A_128 : vector<32x1xi32>, vector<32x1xi32>
    }
    %gt3A_27 = arith.constant 0 : i32
    %gt3A_28 = vector.broadcast %gt3A_27 : i32 to vector<32x1xi32>
    %gt3A_29 = arith.cmpi sgt, %sub3A_17, %gt3A_28 : vector<32x1xi32>
    %jit3A_30 = arith.constant -1 : i32
    %broadcast_in_dim3A_31 = vector.broadcast %jit3A_30 : i32 to vector<32x1xi32>
    %select_n3A_32 = arith.select %gt3A_29, %scan3A_26#0, %broadcast_in_dim3A_31 : vector<32x1xi1>, vector<32x1xi32>
    %le3A = vector.broadcast %select_n3A_32 : vector<32x1xi32> to vector<32x50000xi32>
    %le3A_33 = arith.cmpi sle, %iota3A, %le3A : vector<32x50000xi32>
    %and3A = arith.andi %eq3A_10, %le3A_33 : vector<32x50000xi1>
    %or3A = arith.ori %gt3A_9, %and3A : vector<32x50000xi1>
    %jit3A_34 = arith.constant 0.000000e+00 : f32
    %broadcast_in_dim3A_35 = vector.broadcast %jit3A_34 : f32 to vector<32x50000xf32>
    %select_n3A_36 = arith.select %or3A, %get3A_1, %broadcast_in_dim3A_35 : vector<32x50000xi1>, vector<32x50000xf32>
    %swap3A = arith.constant 0 : index
    %swap3A_37 = arith.constant 0 : index
    %swap3A_38 = vector.load %arg4[%swap3A, %swap3A_37] : memref<32x50000xf32, #tpu.memory_space<vmem>>, vector<32x50000xf32>
    tpu.vector_store %arg4[%swap3A, %swap3A_37], %select_n3A_36 {strides = array<i32>} : memref<32x50000xf32, #tpu.memory_space<vmem>>, vector<32x50000xf32>,
    %get3A_39 = arith.constant 0 : index
    %get3A_40 = arith.constant 0 : index
    %get3A_41 = vector.load %arg1[%get3A_39, %get3A_40] : memref<1x50000xi32, #tpu.memory_space<vmem>>, vector<1x50000xi32>
    %iota3A_42 = tpu.iota {dimensions = array<i32: 0>} : vector<10x50000xi32>
    %eq3A_43 = vector.broadcast %get3A_41 : vector<1x50000xi32> to vector<10x50000xi32>
    %eq3A_44 = arith.cmpi eq, %eq3A_43, %iota3A_42 : vector<10x50000xi32>
    %get3A_45 = arith.constant 0 : index
    %get3A_46 = arith.constant 0 : index
    %get3A_47 = vector.load %arg2[%get3A_45, %get3A_46] : memref<10x50000xf32, #tpu.memory_space<vmem>>, vector<10x50000xf32>
    %max3A = arith.constant 0.000000e+00 : f32
    %max3A_48 = vector.broadcast %max3A : f32 to vector<10x50000xf32>
    %max3A_49 = arith.maximumf %get3A_47, %max3A_48 : vector<10x50000xf32>
    %convert_element_type3A = arith.truncf %max3A_49 : vector<10x50000xf32> to vector<10x50000xbf16>
    %jit3A_50 = arith.constant 0.000000e+00 : bf16
    %broadcast_in_dim3A_51 = vector.broadcast %jit3A_50 : bf16 to vector<10x50000xbf16>
    %select_n3A_52 = arith.select %eq3A_44, %convert_element_type3A, %broadcast_in_dim3A_51 : vector<10x50000xi1>, vector<10x50000xbf16>
    %convert_element_type3A_53 = arith.truncf %select_n3A_36 : vector<32x50000xf32> to vector<32x50000xbf16>
    %convert_element_type3A_54 = arith.extf %convert_element_type3A_53 : vector<32x50000xbf16> to vector<32x50000xf32>
    %sub3A_55 = arith.subf %select_n3A_36, %convert_element_type3A_54 : vector<32x50000xf32>
    %convert_element_type3A_56 = arith.truncf %sub3A_55 : vector<32x50000xf32> to vector<32x50000xbf16>
    %dot_general3A = arith.constant dense<0.000000e+00> : vector<32x10xf32>
    %dot_general3A_57 = tpu.matmul %convert_element_type3A_53, %select_n3A_52, %dot_general3A {dimension_numbers = #tpu.dot_dimension_numbers<[1], [1], [0], [0], [0, 0, 1, 0], [], []>, transpose_lhs_hint = false} : vector<32x50000xbf16>, vector<10x50000xbf16>, vector<32x10xf32> -> vector<32x10xf32>
    %dot_general3A_58 = arith.constant dense<0.000000e+00> : vector<32x10xf32>
    %dot_general3A_59 = tpu.matmul %convert_element_type3A_56, %select_n3A_52, %dot_general3A_58 {dimension_numbers = #tpu.dot_dimension_numbers<[1], [1], [0], [0], [0, 0, 1, 0], [], []>, transpose_lhs_hint = false} : vector<32x50000xbf16>, vector<10x50000xbf16>, vector<32x10xf32> -> vector<32x10xf32>
    %add3A = arith.addf %dot_general3A_57, %dot_general3A_59 : vector<32x10xf32>
    %get3A_60 = arith.constant 0 : index
    %get3A_61 = arith.constant 0 : index
    %get3A_62 = vector.load %arg3[%get3A_60, %get3A_61] : memref<1x10xf32, #tpu.memory_space<vmem>>, vector<1x10xf32>
    %add3A_63 = vector.broadcast %get3A_62 : vector<1x10xf32> to vector<32x10xf32>
    %add3A_64 = arith.addf %add3A, %add3A_63 : vector<32x10xf32>
    %swap3A_65 = arith.constant 0 : index
    %swap3A_66 = arith.constant 0 : index
    %swap3A_67 = vector.load %arg5[%swap3A_65, %swap3A_66] : memref<32x10xf32, #tpu.memory_space<vmem>>, vector<32x10xf32>
    tpu.vector_store %arg5[%swap3A_65, %swap3A_66], %add3A_64 {strides = array<i32>} : memref<32x10xf32, #tpu.memory_space<vmem>>, vector<32x10xf32>,
    %reduce_max3A = arith.constant dense<0xFF800000> : vector<32xf32>
    %reduce_max3A_68 = vector.multi_reduction <maximumf>, %add3A_64, %reduce_max3A [1] : vector<32x10xf32> to vector<32xf32>
    %broadcast_in_dim3A_69 = vector.shape_cast %reduce_max3A_68 : vector<32xf32> to vector<32x1xf32>
    %iota3A_70 = tpu.iota {dimensions = array<i32: 1>} : vector<32x10xi32>
    %eq3A_71 = vector.broadcast %broadcast_in_dim3A_69 : vector<32x1xf32> to vector<32x10xf32>
    %eq3A_72 = arith.cmpf oeq, %add3A_64, %eq3A_71 : vector<32x10xf32>
    %jit3A_73 = arith.constant 50000 : i32
    %broadcast_in_dim3A_74 = vector.broadcast %jit3A_73 : i32 to vector<32x10xi32>
    %select_n3A_75 = arith.select %eq3A_72, %iota3A_70, %broadcast_in_dim3A_74 : vector<32x10xi1>, vector<32x10xi32>
    %reduce_min3A = arith.constant dense<2147483647> : vector<32xi32>
    %reduce_min3A_76 = vector.multi_reduction <minsi>, %select_n3A_75, %reduce_min3A [1] : vector<32x10xi32> to vector<32xi32>
    %broadcast_in_dim3A_77 = vector.shape_cast %reduce_min3A_76 : vector<32xi32> to vector<1x32xi32>
    %swap3A_78 = arith.constant 0 : index
    %swap3A_79 = arith.constant 0 : index
    %swap3A_80 = vector.load %arg6[%swap3A_78, %swap3A_79] : memref<1x32xi32, #tpu.memory_space<vmem>>, vector<1x32xi32>
    tpu.vector_store %arg6[%swap3A_78, %swap3A_79], %broadcast_in_dim3A_77 {strides = array<i32>} : memref<1x32xi32, #tpu.memory_space<vmem>>, vector<1x32xi32>,
    return
  }
}

</mosaic_0001>

<sc_bundles>
// kernel: sparse-core-data-format-call.cloned.1.call-start
scs
called_computation_lowered:
.L_overlay_start_0:
0x0: {  	s2 =	sld [smem:$0x3FD9]  }
0x1: {  	s3 =	sld [smem:$0x3FFE];
	_ =	sdelay $0x1  }
0x2: {  	s1 =	srdreg.scid  }
0x3: {  	s0 =	sand.u32 $0x1, s1  }
0x4: {  	s15 =	sshll.u32 s0, $0xA;
	s2 =	sadd.s32 s3, s2  }
0x5: {  	s2 =	sadd.s32 s2, s15  }
0x6: {  	[smem:$0x3FC0] =	sst s2  }
0x7: {  	_ = 	snop  }
0x8: {  	s2 =	sld [smem:$0x3FD0];
	_ =	sdelay $0x2  }
0x9: {  	s16 =	simm.s32 $0xA;
	s4 =	simm.s32 $0x10  }
0xa: {  	[smem:s4], [sflag:s16] =	dma.local [hbm:s2], $0x1  }
0xb: {  	_ =	swait.eq [sflag:s16], $0x1  }
0xc: {  	[sflag:s16] =	ssyncset.done $0x0  }
0xd: {  	[sflag:s16] =	ssyncadd.s32 $0xFFFFFFFF  }
0xe: {  	s17 =	sld [smem:$0x10];
	(tm) =	ssettm $0x1  }
0xf: {  	s18 =	sld [smem:$0x3FFB];
	_ =	sdelay $0x3  }
0x10: {  	_ =	strace s18  }
0x11: {  	s3 =	sld [smem:$0x3FFC];
	_ =	sdelay $0x3  }
0x12: {  	_ =	strace s3  }
0x13: {  	s3 =	sld [smem:$0x3FFD];
	_ =	sdelay $0x3  }
0x14: {  	_ =	strace s3  }
0x15: {  	_ =	strace $0x8FFFFFFF  }
0x16: {  	s19 =	sld [smem:$0x3FDB];
	_ =	sdelay $0x1  }
0x17: {  	s20 =	simm.s32 $_scs_section_size  }
0x18: {  	s5 =	simm.s32 $_size__tile_overlayer_lowered;
	s6 =	simm.s32 $_tile_overlayer_lowered  }
0x19: {  	s23 =	simm.s32 $0x1BFF;
	s22 =	sshll.u32 s6, $0x1;
	s3 =	sadd.s32 s20, s19  }
0x1a: {  	s7 =	simm.s32 $0x0;
	s21 =	sshll.u32 s5, $0x1;
	s5 =	sadd.s32 s22, s3  }
0x1b: {  	[timem:s7], [sflag:s23] =	dma.local [hbm:s5], s21  }
0x1c: {  	_ =	swait.ge [sflag:s23], s21  }
0x1d: {  	s4 =	ssub.s32 $0x0, s21;
	[sflag:s23] =	ssyncset.done $0x0  }
0x1e: {  	[sflag:s23] =	ssyncadd.s32 s4;
	_ =	sdelay $0x1  }
0x1f: {  	s24 =	simm.s32 $0x1B8B  }
0x20: {  	_ =	swait.ge [sflag:s24], $0x1  }
0x21: {  	[sflag:s24] =	ssyncset.done $0x0  }
0x22: {  	s26 =	simm.s32 $0x1B8E;
	s25 =	sld [smem:$0x3FFE];
	[sflag:s24] =	ssyncadd.s32 $0xFFFFFFFF  }
0x23: {  	s27 =	simm.s32 $execute0_lowered;
	[smem:$0x3FD2] =	sst s26  }
0x24: {  	s5 =	sshll.u32 s27, $0x1;
	_ =	strace $0x80000046;
	[dreg:$0x1] =	wrdreg $0xFFFFFFFF  }
0x25: {  	s28 =	simm.s32 $_size_execute0_lowered;
	s3 =	sadd.s32 s3, s5;
	[dreg:$0x0] =	wrdreg $0x0  }
0x26: {  	s5 =	sshll.u32 s28, $0x1;
	[dreg:$0x2] =	wrdreg s3  }
0x27: {  	[dreg:$0x3] =	wrdreg s5  }
0x28: {  	[dreg:$0x4] =	wrdreg $0xC0  }
0x29: {  	_ =	task [dreg:s7], $0x5FFFF  }
0x2a: {  	[dreg:$0x1] =	wrdreg $0xFFFFFFFF  }
0x2b: {  	[dreg:$0x0] =	wrdreg $0x60  }
0x2c: {  	[dreg:$0x2] =	wrdreg s25  }
0x2d: {  	[dreg:$0x3] =	wrdreg s17  }
0x2e: {  	[dreg:$0x4] =	wrdreg $0x9  }
0x2f: {  	_ =	task.clear_ibuf [dreg:s7], $0x5FFFF;
	_ =	strace $0x90000046  }
0x30: {  	s29 =	simm.s32 $0x9;
	_ =	strace $0x80000048  }
0x31: {  	_ =	swait.ge [sflag:s29], $0x1  }
0x32: {  	[sflag:s29] =	ssyncadd.s32 $0xFFFFFFFF  }
0x33: {  	_ =	strace $0x90000048  }
0x34: {  	_ =	sfence  }
0x35: {  	s30 =	sld [smem:$0x0];
	_ =	sdelay $0x2  }
0x36: {  	s31 =	sshll.u32 s1, $0xD;
	s1 =	sshrl.u32 s1, $0x2  }
0x37: {  	s3 =	sand.u32 $0x4000, s31;
	s1 =	sadd.s32 s1, s30  }
0x38: {  	s0 =	sor.u32 s3, s0;
	s1 =	sshll.u32 s1, $0x11  }
0x39: {  	s0 =	sor.u32 s1, s0  }
0x3a: {  	s0 =	sadd.s32 $0x8F2B, s0  }
0x3b: {  	[sflag:s0] =	ssyncadd.remote.s32 $0x1  }
0x3c: {  	_ =	sfence.sel $0xFFFF  }
0x3d: {  	[dreg:$0x0] =	wrdreg $0xFFFFFFFF;
	(pc) =	sbr.abs _section_cstart, $3  }
0x3e: {  	[dreg:$0x1] =	wrdreg $0xFFFFFFFF  }
0x3f: {  	_ =	task.clear_ibuf [dreg:s7], $0x2FFFF;
	_ =	strace $0x9FFFFFFF  }
0x40: {  	(tm) =	ssettm $0x7FFFFFFF  }
0x41: {  	_ =	shalt  }
tec
execute0_lowered:
.L_overlay_start_1:
0x0: {  	(tag) =	ssettag $0x1  }
0x1: {  	s4 =	rddreg [dreg:$0x0]  }
0x2: {  	s2 =	rddreg [dreg:$0x1]  }
0x3: {  	s0 =	rddreg [dreg:$0x2];
	_ =	strace $0x80000047  }
0x4: {  	s3 =	srdreg.scid;
	s1 =	stileid.u32;
	s6 =	simm.s32 $0x2  }
.Ltmp0:
0x5: {  	s11 =	simm.s32 $0x0;
	p0 =	por $0x0, $0x0;
	(pc) =	sbr.rel .LBB1_1-.Ltmp0, $4  }
0x6: {  	s10 =	simm.s32 $0x0;
	s8 =	simm.s32 $0x0;
	s5 =	sshll.u32 s3, $0x4  }
0x7: {  	s7 =	simm.s32 $0x0;
	s3 =	simm.s32 $0x1;
	s5 =	sand.u32 $0x10, s5  }
0x8: {  	s4 =	sadd.s32 $0x32A00, s4;
	[sflag:s3] =	ssyncpa.u1 $0x0;
	s5 =	sor.u32 s1, s5  }
0x9: {  	[sflag:s6] =	ssyncpa.u1 $0x0;
	s6 =	simm.s32 $0x61C00;
	s9 =	smov.u32 s5  }
.LBB1_5:
0xa: {  	s12 =	sadd.s32 $0x80, s8  }
0xb: {  	s10 =	sadd.s32 $0x20, s9;
	s14 =	smov.u32 s9;
	p2 =	sgt.s32 s12, $0xC34F  }
0xc: {  	p1 =	slt.u32 s7, $0x2;
	s14 =	smov.u32 @p2 s10  }
0xd: {  	s7 =	sadd.s32 $0x1, s7;
	s12 =	simm.s32 @p2 $0x0;
	p2 =	sgt.s32 s14, $0x1F  }
0xe: {  	s14 =	smov.u32 @p2 s5;
	p2 =	sne.s32 s7, $0x189  }
.Ltmp1:
0xf: {  	_ = 	snop;
	(pc) =	sbr.rel @!p2 .LBB1_6-.Ltmp1, $4  }
0x10: {  	s13 =	simm.s32 @!p1 $0x2  }
0x11: {  	s11 =	smov.u32 s8;
	_ =	swait.ge @!p1 [sflag:s13], $0x1000  }
0x12: {  	p0 =	por !p0, !p0;
	s10 =	smov.u32 s9;
	[sflag:s13] =	ssyncset.done @!p1 $0x0  }
0x13: {  	s8 =	smov.u32 s12;
	[sflag:s13] =	ssyncadd.s32 @!p1 $0xFFFFF000;
	s9 =	smov.u32 s14  }
.LBB1_1:
0x14: {  	p1 =	sgt.u32 s7, $0x186  }
0x15: {  	s14 =	smov.u32 s9;
	s16 =	smov.u32 s8;
	p2 =	sgt.s32 @!p1 s9, $0x1F  }
0x16: {  	s12 =	sand.u32 @!p1 $0x1FFFFFF, s8;
	s15 =	sshra.s32 @!p1 s9, $0x1F;
	p2 =	por !p2, p1  }
0x17: {  	s17 =	sshra.s32 @!p1 s8, $0x1F;
	s14 =	simm.s32 @p2 $0x1F;
	p2 =	sgt.s32 @!p1 s8, $0xC2D0  }
0x18: {  	s13 =	smulhi.u32 @!p1 $0x14F8B59, s12;
	s15 =	sand.u32 @!p1 s15, s9;
	p2 =	por !p2, p1  }
0x19: {  	s14 =	ssub.s32 @!p1 s14, s15;
	s15 =	sand.u32 @!p1 s17, s8;
	s16 =	simm.s32 @p2 $0xC2D0  }
0x1a: {  	s14 =	sadd.s32 @!p1 $0xFFFFFFE1, s14;
	s15 =	ssub.s32 @!p1 s16, s15  }
0x1b: {  	s13 =	sshrl.u32 @!p1 s13, $0x8;
	p2 =	sgt.s32 @!p1 s14, $0x0;
	s16 =	sadd.s32 @!p1 $0xFFFF3D30, s15  }
0x1c: {  	s14 =	sshll.u32 @!p1 s14, $0x5;
	s15 =	ssub.s32 @!p1 $0xC350, s15;
	p3 =	sgt.s32 @!p1 s16, $0x7F  }
0x1d: {  	s14 =	ssub.s32 @!p1 $0x20, s14;
	p2 =	por !p2, p1;
	p3 =	por !p3, p1  }
0x1e: {  	s13 =	smul.u32 @!p1 $0xC350, s13;
	s14 =	simm.s32 @!p2 $0x0;
	s15 =	simm.s32 @!p3 $0x0  }
0x1f: {  	s16 =	sxor.u32 @!p1 $0xFFFFFFFF, s7;
	s14 =	smul.u32 @!p1 s15, s14  }
0x20: {  	s12 =	ssub.s32 @!p1 s12, s13;
	s15 =	sshll.u32 @!p1 s16, $0xC;
	s16 =	smul.u32 @!p1 $0xC3500, s9  }
0x21: {  	s12 =	sshll.u32 @!p1 s12, $0x4  }
0x22: {  	s15 =	sand.u32 @!p1 $0x1000, s15;
	s13 =	sand.u32 @!p1 $0x3FFFFFE0, s14;
	s14 =	sadd.s32 @!p1 s4, s16  }
0x23: {  	s16 =	simm.s32 @!p1 $0x80;
	s12 =	sadd.s32 @!p1 s12, s14;
	s14 =	simm.s32 @!p1 $0x20  }
0x24: {  	[tilespmem:s15], [sflag:$0x1] =	stream.strided.gather @!p1 [hbm4b:s12+s14], s13, s16, s14, $0x38;
	[tilespmem:$0x4040] =	vst v63  }
0x25: {  	p1 =	seq.s32 s7, $0x0  }
0x26: {  	p2 =	seq.s32 @!p1 s7, $0x188  }
0x27: {  	p1 =	por p1, p2  }
.Ltmp2:
0x28: {  	_ = 	snop;
	(pc) =	sbr.rel @p1 .LBB1_5-.Ltmp2, $1  }
0x29: {  	_ =	sdelay $0x3  }
0x2a: {  	p1 =	sgt.s32 s10, $0x1F;
	s12 =	smov.u32 s10  }
0x2b: {  	s13 =	sshra.s32 s10, $0x1F;
	s14 =	smov.u32 s11;
	s15 =	sshra.s32 s11, $0x1F  }
0x2c: {  	s12 =	simm.s32 @!p1 $0x1F;
	s13 =	sand.u32 s13, s10;
	p1 =	sgt.s32 s11, $0xC2D0  }
0x2d: {  	s27 =	sand.u32 s15, s11;
	s12 =	ssub.s32 s12, s13;
	s14 =	simm.s32 @!p1 $0xC2D0  }
0x2e: {  	s12 =	sadd.s32 $0xFFFFFFE1, s12;
	s13 =	ssub.s32 s14, s27  }
0x2f: {  	p1 =	sgt.s32 s12, $0x0;
	s14 =	sadd.s32 $0xFFFF3D30, s13;
	s12 =	sshll.u32 s12, $0x5  }
0x30: {  	s13 =	ssub.s32 $0xC350, s13;
	p2 =	sgt.s32 s14, $0x7F;
	s12 =	ssub.s32 $0x20, s12  }
0x31: {  	s13 =	simm.s32 @p2 $0x0;
	s12 =	simm.s32 @p1 $0x0  }
0x32: {  	s12 =	smul.u32 s13, s12;
	_ =	sdelay $0x1  }
0x33: {  	s13 =	simm.s32 $0x1;
	s12 =	sand.u32 $0x3FFFFFE0, s12  }
0x34: {  	s13 =	simm.s32 @!p0 $0x0;
	_ =	swait.ge [sflag:s3], s12  }
0x35: {  	s28 =	sshll.u32 s13, $0xC;
	s12 =	ssub.s32 $0x0, s12;
	[sflag:s3] =	ssyncset.done $0x0  }
0x36: {  	s16 =	sor.u32 $0x10, s28;
	[sflag:s3] =	ssyncadd.s32 s12  }
0x37: {  	s29 =	smul.u32 $0x4080, s13;
	v1 =	vld [tilespmem:s16+$0x0]  }
0x38: {  	s30 =	sand.u32 $0x1, s7;
	v0 =	vld [tilespmem:s16+$0xFFFFFFF0]  }
0x39: {  	s13 =	smul.u32 $0x4080, s30;
	s12 =	sshrl.u32 s29, $0x2  }
0x3a: {  	s14 =	sor.u32 $0x2000, s12  }
0x3b: {  	s31 =	sshrl.u32 s13, $0x2;
	s13 =	sadd.s32 $0x0, s14  }
0x3c: {  	s15 =	simm.s32 $0x4;
	s12 =	sor.u32 $0x2000, s31;
	s16 =	sadd.s32 $0x20, s16;
	[tilespmem:s13+$0x810 ss:$0x81] =	vst.msk $0xffff, v1  }
.LBB1_3:
0x3d: {  	v1 =	vld [tilespmem:s16+$0x0];
	p1 =	sne.s32 s15, $0x1FC;
	[tilespmem:s13+$0x0 ss:$0x81] =	vst.msk $0xffff, v0;
	s13 =	smov.u32 s15;
	s15 =	sadd.s32 $0x4, s15  }
.Ltmp3:
0x3e: {  	v0 =	vld [tilespmem:s16+$0xFFFFFFF0];
	(pc) =	sbr.rel @p1 .LBB1_3-.Ltmp3, $4  }
0x3f: {  	_ = 	snop  }
0x40: {  	s13 =	sshra.s32 s13, $0x2  }
0x41: {  	s13 =	sadd.s32 s13, s14  }
0x42: {  	s16 =	sadd.s32 $0x20, s16;
	[tilespmem:s13+$0x810 ss:$0x81] =	vst.msk $0xffff, v1  }
0x43: {  	s14 =	sshll.u32 s11, $0x3  }
0x44: {  	s29 =	sand.u32 $0x7F, s11;
	s14 =	sand.u32 $0xFFFFFC00, s14  }
0x45: {  	s11 =	sor.u32 s29, s14;
	s14 =	smulhi.u32 $0xA79C7B17, s14  }
0x46: {  	s15 =	smulhi.u32 $0xA79C7B17, s11;
	_ =	sdelay $0x1  }
0x47: {  	s10 =	smul.u32 $0x30E00, s10;
	s14 =	sshrl.u32 s14, $0xF;
	s15 =	sshrl.u32 s15, $0xF  }
0x48: {  	s14 =	sand.u32 $0x1F, s14;
	s15 =	smul.u32 $0xC380, s15  }
0x49: {  	s14 =	smul.u32 $0x1870, s14  }
.Ltmp4:
0x4a: {  	s11 =	ssub.s32 s11, s15;
	(pc) =	sbr.rel .LBB1_5-.Ltmp4, $4  }
0x4b: {  	s10 =	sadd.s32 s2, s10;
	s15 =	sand.u32 $0x7, s11  }
0x4c: {  	s10 =	sadd.s32 s14, s10;
	s11 =	sshrl.u32 s11, $0x3;
	s30 =	sshll.u32 s15, $0x12  }
0x4d: {  	[tilespmem:s13+$0x0 ss:$0x81] =	vst.msk $0xffff, v0;
	s10 =	sadd.s32 s11, s10;
	s31 =	sor.u32 $0x400, s30  }
0x4e: {  	[hbm4b:s10+s31] =	stream.strided.scatter [tilespmem:s12], [sflag:$0x2], $0x1000, s6, s31, $0x20;
	[tilespmem:$0x4040] =	vst v63  }
.LBB1_6:
0x4f: {  	_ =	sfence.sel $0x180000  }
0x50: {  	s2 =	simm.s32 $0x1;
	[bflag:$0x0] =	sbarrier.arrive $0xFFFF  }
0x51: {  	s31 =	simm.s32 $0x2;
	[sflag:s2] =	ssyncpa.u1 $0x1  }
0x52: {  	[sflag:s31] =	ssyncpa.u1 $0x1  }
0x53: {  	p0 =	sne.s32 s1, $0x0;
	_ =	strace $0x90000047  }
0x54: {  	s0 =	sadd.s32 @!p0 $0x100000, s0;
	[bflag:$0x2] =	sbarrier.arrive $0xFFFF  }
0x55: {  	[sflag:s0] =	ssyncadd.tile.s32 @!p0 $0x1;
	_ =	shalt  }
.Lfunc_end1:
_tile_overlayer_lowered:
.L_overlay_start_2:
0x56: {  	(tag) =	ssettag $0x2  }
0x57: {  	s0 =	rddreg [dreg:$0x0];
	s2 =	stileid.u32  }
0x58: {  	s1 =	rddreg [dreg:$0x1];
	p0 =	sne.s32 s2, $0x0  }
0x59: {  	s3 =	rddreg [dreg:$0x2];
	[bflag:$0x3] =	sbarrier.arrive $0xFFFF;
	s2 =	simm.s32 @!p0 $0x1C01  }
0x5a: {  	[timem:s3], [sflag:s2] =	dma.local @!p0 [hbm:s0], s1  }
0x5b: {  	s0 =	simm.s32 @!p0 $0x1  }
0x5c: {  	_ =	swait.ge @!p0 [sflag:s0], s1  }
0x5d: {  	s1 =	ssub.s32 @!p0 $0x0, s1;
	[sflag:s0] =	ssyncset.done @!p0 $0x0  }
0x5e: {  	[sflag:s0] =	ssyncadd.s32 @!p0 s1  }
0x5f: {  	[bflag:$0x3] =	sbarrier.arrive $0xFFFF  }
0x60: {  	_ =	shalt  }

</sc_bundles>
